<compile_context>
chip_gen: v7x
topology: tpu7x:2x2x1
jax: 0.10.2.dev20260603
libtpu: 0.0.44.dev20260713+nightly
codegen_flags: <defaults>
</compile_context>

<pallas_src>
import functools

import jax
import jax.numpy as jnp
import numpy as np
from jax import lax
from jax.experimental import pallas as pl
from jax.experimental.pallas import tpu as pltpu
from jax.experimental.pallas import tpu_sc as plsc

_MASK_RATIO = 0.6
_NC = 2
_NS = 16
_NW = _NC * _NS
_L = 16


def _sc_gather_body(
    total, scene_elems, scene_words, table_words,
    table_hbm, idx_hbm, out_hbm, table_v, idx_v, out_v,
):
    nv = total // _L
    small = nv // _NW
    nbig = nv % _NW
    chunk_small = small * _L
    chunk_big = chunk_small + _L
    wid = lax.axis_index("s") * _NC + lax.axis_index("c")
    base = wid * chunk_small + _L * jnp.minimum(wid, nbig)

    win_words = 2 * scene_words
    s0 = base // scene_elems
    win = jnp.minimum(s0 * scene_words, table_words - win_words)
    pltpu.sync_copy(table_hbm.at[pl.ds(win, win_words)], table_v)
    pltpu.sync_copy(idx_hbm.at[pl.ds(base, chunk_big)], idx_v)

    def body(i, carry):
        sl = pl.ds(i * _L, _L)
        out_v[sl] = plsc.load_gather(table_v, [idx_v[sl] - win])
        return carry

    lax.fori_loop(0, small + 1, body, 0)

    @pl.when(wid < nbig)
    def _():
        pltpu.sync_copy(out_v, out_hbm.at[pl.ds(base, chunk_big)])

    @pl.when(wid >= nbig)
    def _():
        pltpu.sync_copy(out_v.at[pl.ds(0, chunk_small)],
                        out_hbm.at[pl.ds(base, chunk_small)])


@functools.cache
def _make_sc_gather(table_words, total, scene_elems, scene_words):
    chunk_big = (total // (_L * _NW) + 1) * _L
    mesh = plsc.VectorSubcoreMesh(
        core_axis_name="c", subcore_axis_name="s", num_cores=_NC, num_subcores=_NS
    )
    return pl.kernel(
        functools.partial(
            _sc_gather_body, total, scene_elems, scene_words, table_words
        ),
        out_type=jax.ShapeDtypeStruct((total,), jnp.float32),
        mesh=mesh,
        scratch_types=[
            pltpu.VMEM((2 * scene_words,), jnp.float32),
            pltpu.VMEM((chunk_big,), jnp.int32),
            pltpu.VMEM((chunk_big,), jnp.float32),
        ],
        compiler_params=pltpu.CompilerParams(needs_layout_passes=False),
    )


def _tc_mlp_body(mt_ref, we_ref, be_ref, w1_ref, b1_ref, w2_ref, b2_ref, out_ref):
    e = jnp.dot(mt_ref[...], we_ref[...], preferred_element_type=jnp.float32)
    e = e + be_ref[...]
    h = jnp.dot(e, w1_ref[...], preferred_element_type=jnp.float32) + b1_ref[...]
    h = jnp.maximum(h, 0.0)
    o = jnp.dot(h, w2_ref[...], preferred_element_type=jnp.float32) + b2_ref[...]
    out_ref[...] = o


_tc_mlp = pl.pallas_call(
    _tc_mlp_body,
    out_shape=jax.ShapeDtypeStruct((1, 3), jnp.float32),
)


@functools.cache
def _sorted_mask_indices(num_scenes, Pn, num_masked):
    cpu = jax.devices("cpu")[0]
    with jax.ensure_compile_time_eval(), jax.default_device(cpu):
        mkey = jax.random.key(42)
        out = []
        for i in range(num_scenes):
            k = jax.random.fold_in(mkey, i)
            out.append(np.asarray(jax.random.permutation(k, Pn)[:num_masked]))
    return np.sort(np.stack(out), axis=1).astype(np.int32)


_sorted_mask_indices(16, 2048, max(1, int(2048 * _MASK_RATIO)))


def kernel(xyz, x, indices, pts_list, mask_token, W_enc, b_enc, W1, b1, W2, b2):
    num_scenes = len(pts_list)
    Pn = xyz.shape[0] // num_scenes
    num_masked = max(1, int(Pn * _MASK_RATIO))

    sidx = _sorted_mask_indices(num_scenes, Pn, num_masked)

    rows = np.arange(num_scenes, dtype=np.int32)[:, None] * Pn + sidx
    eidx = (rows[..., None] * 3 + np.arange(3, dtype=np.int32)).reshape(-1)

    total = eidx.shape[0]
    assert total % _L == 0
    chunk_small = (total // (_L * _NW)) * _L
    chunk_big = chunk_small + _L
    idx_len = (_NW - 1) * chunk_small + _L * ((total // _L) % _NW) + chunk_big
    eidx = jnp.asarray(
        np.concatenate(
            [eidx, np.full((max(0, idx_len - total),), eidx[-1], np.int32)]
        )
    )

    table = xyz.reshape(-1)
    gathered = _make_sc_gather(
        table.shape[0], total, num_masked * 3, Pn * 3
    )(table, eidx)
    gt_pos = gathered.reshape(num_scenes, num_masked, 3)

    o = _tc_mlp(
        mask_token, W_enc, b_enc.reshape(1, -1), W1, b1.reshape(1, -1),
        W2, b2.reshape(1, -1),
    )
    recon_pos = jnp.broadcast_to(o[0], (num_scenes, num_masked, 3))
    return recon_pos, gt_pos, jnp.float32(0.0)

# --- scband reference (transcript-rebuilt; emitter-appended) ---
"""Pipeline reference for scband-masked-pre-trainer-43250320671442 (READ-ONLY COPY).

The authoritative reference and input builder live on the scoring server;
editing this copy changes nothing except your own understanding.
"""

import jax, jax.numpy as jnp
import numpy as np

MASK_RATIO = 0.6
B = 16
P = 2048
D = 384

def setup_inputs(seed: int = 0) -> dict:
    key = jax.random.key(seed)
    ks = jax.random.split(key, 10)
    N = B * P
    xyz = jax.random.normal(ks[0], (N, 3), jnp.float32)
    x = jax.random.normal(ks[1], (N, D), jnp.float32)
    indices = jax.random.randint(ks[2], (N,), 0, N)
    pts_list = [P] * B
    mask_token = jax.random.truncated_normal(ks[3], -2.0, 2.0, (1, D), jnp.float32) * 0.02
    W_enc = jax.random.normal(ks[4], (D, D), jnp.float32) * 0.02
    b_enc = jnp.zeros((D,), jnp.float32)
    W1 = jax.random.normal(ks[5], (D, 512), jnp.float32) * 0.02
    b1 = jnp.zeros((512,), jnp.float32)
    W2 = jax.random.normal(ks[6], (512, 3), jnp.float32) * 0.02
    b2 = jnp.zeros((3,), jnp.float32)
    return {"xyz": xyz, "x": x, "indices": indices, "pts_list": pts_list, "mask_token": mask_token, "W_enc": W_enc, "b_enc": b_enc, "W1": W1, "b1": b1, "W2": W2, "b2": b2}

def reference(xyz, x, indices, pts_list, mask_token, W_enc, b_enc, W1, b1, W2, b2):
    num_scenes = len(pts_list)
    Pn = xyz.shape[0] // num_scenes
    min_points = Pn
    num_masked = max(1, int(min_points * MASK_RATIO))
    mkey = jax.random.key(42)
    masked_feat_list = []
    gt_pos_list = []
    sorted_idx_list = []
    offset = jnp.asarray(0, jnp.int32)
    for i in range(num_scenes):
        k = jax.random.fold_in(mkey, i)
        rand_indices = jax.random.permutation(k, Pn)[:num_masked]
        sidx = jnp.sort(rand_indices)  # torch boolean-mask gather is in sorted index order
        sorted_idx_list.append(sidx)
        scene_xyz = jax.lax.dynamic_slice_in_dim(xyz, offset, Pn, axis=0)
        scene_x = jax.lax.dynamic_slice_in_dim(x, offset, Pn, axis=0)
        mask = jnp.zeros((Pn,), bool).at[rand_indices].set(True)
        gt_pos_list.append(scene_xyz[sidx])
        masked_x = jnp.where(mask[:, None], mask_token, scene_x)
        masked_feat_list.append(masked_x)
        offset = offset + jnp.asarray(pts_list[i], jnp.int32)
    masked_feats = jnp.concatenate(masked_feat_list, axis=0)
    # encoder: simple linear token encoder, contrastive loss stub = 0
    encoded_feats = masked_feats @ W_enc + b_enc
    closs = jnp.float32(0.0)
    all_masked_feats = []
    offset = jnp.asarray(0, jnp.int32)
    for i in range(num_scenes):
        scene_feats = jax.lax.dynamic_slice_in_dim(encoded_feats, offset, Pn, axis=0)
        all_masked_feats.append(scene_feats[sorted_idx_list[i]])
        offset = offset + jnp.asarray(pts_list[i], jnp.int32)
    masked_encoded = jnp.stack(all_masked_feats, axis=0)
    gt_pos = jnp.stack(gt_pos_list, axis=0)
    Bn, nm, fd = masked_encoded.shape
    flat = masked_encoded.reshape(-1, fd)
    h = jax.nn.relu(flat @ W1 + b1)
    recon_pos = (h @ W2 + b2).reshape(Bn, nm, 3)
    return recon_pos, gt_pos, closs

if __name__ == "__main__":
    import jax
    _d = setup_inputs()
    print(jax.jit(kernel)(*tuple(_d.values())))

</pallas_src>

<mosaic_0001>
#map = affine_map<(d0, d1) -> (0)>
module attributes {stable_mosaic.version = 14 : i64} {
  func.func @_sc_gather_body(%arg0: i32, %arg1: i32, %arg2: memref<98304xf32, #tpu.memory_space<hbm>>, %arg3: memref<58960xi32, #tpu.memory_space<hbm>>, %arg4: memref<58944xf32, #tpu.memory_space<hbm>>, %arg5: memref<12288xf32, #tpu.memory_space<vmem>>, %arg6: memref<1856xi32, #tpu.memory_space<vmem>>, %arg7: memref<1856xf32, #tpu.memory_space<vmem>>) attributes {dimension_semantics = [#tpu.dimension_semantics<core_parallel>, #tpu.dimension_semantics<subcore_parallel>], iteration_bounds = array<i64: 2, 16>, scalar_prefetch = 0 : i64, scratch_operands = 3 : i64, tpu.core_type = #tpu.core_type<sc_vector_subcore>, window_params = [{transform_indices = #map}, {transform_indices = #map}, {transform_indices = #map}]} {
    %mul3A = arith.constant 2 : i32
    %mul3A_0 = arith.muli %arg1, %mul3A : i32
    %add3A = arith.addi %mul3A_0, %arg0 : i32
    %mul3A_1 = arith.constant 1840 : i32
    %mul3A_2 = arith.muli %add3A, %mul3A_1 : i32
    %min3A = arith.constant 4 : i32
    %min3A_3 = arith.minsi %add3A, %min3A : i32
    %mul3A_4 = arith.constant 16 : i32
    %mul3A_5 = arith.muli %mul3A_4, %min3A_3 : i32
    %add3A_6 = arith.addi %mul3A_2, %mul3A_5 : i32
    %jit3A = arith.constant 3684 : i32
    %div3A = arith.divsi %add3A_6, %jit3A : i32
    %sign3A = arith.constant 0 : i32
    %sign3A_7 = arith.cmpi sgt, %add3A_6, %sign3A : i32
    %sign3A_8 = arith.extui %sign3A_7 : i1 to i32
    %sign3A_9 = arith.constant 0 : i32
    %sign3A_10 = arith.cmpi slt, %add3A_6, %sign3A_9 : i32
    %sign3A_11 = arith.extui %sign3A_10 : i1 to i32
    %sign3A_12 = arith.subi %sign3A_8, %sign3A_11 : i32
    %sign3A_13 = arith.constant 0 : i32
    %sign3A_14 = arith.cmpi sgt, %jit3A, %sign3A_13 : i32
    %sign3A_15 = arith.extui %sign3A_14 : i1 to i32
    %sign3A_16 = arith.constant 0 : i32
    %sign3A_17 = arith.cmpi slt, %jit3A, %sign3A_16 : i32
    %sign3A_18 = arith.extui %sign3A_17 : i1 to i32
    %sign3A_19 = arith.subi %sign3A_15, %sign3A_18 : i32
    %ne3A = arith.cmpi ne, %sign3A_12, %sign3A_19 : i32
    %rem3A = arith.remsi %add3A_6, %jit3A : i32
    %ne3A_20 = arith.constant 0 : i32
    %ne3A_21 = arith.cmpi ne, %rem3A, %ne3A_20 : i32
    %and3A = arith.andi %ne3A, %ne3A_21 : i1
    %sub3A = arith.constant 1 : i32
    %sub3A_22 = arith.subi %div3A, %sub3A : i32
    %select_n3A = arith.select %and3A, %sub3A_22, %div3A : i32
    %mul3A_23 = arith.constant 6144 : i32
    %mul3A_24 = arith.muli %select_n3A, %mul3A_23 : i32
    %min3A_25 = arith.constant 86016 : i32
    %min3A_26 = arith.minsi %mul3A_24, %min3A_25 : i32
    "tpu.region"() ({
      %run_scoped3A = tpu.sem_alloc : memref<!tpu.dma_semaphore, #tpu.memory_space<semaphore_mem>>
      %dma_start3A = tpu.memref_slice %arg2[%min3A_26] : memref<98304xf32, #tpu.memory_space<hbm>> -> memref<12288xf32, #tpu.memory_space<hbm>>
      %dma_start3A_38 = tpu.memref_slice %arg2[%min3A_26] : memref<98304xf32, #tpu.memory_space<hbm>> -> memref<12288xf32, #tpu.memory_space<hbm>>
      tpu.enqueue_dma source(%dma_start3A_38 : memref<12288xf32, #tpu.memory_space<hbm>>) target(%arg5 : memref<12288xf32, #tpu.memory_space<vmem>>) target_semaphore(%run_scoped3A : memref<!tpu.dma_semaphore, #tpu.memory_space<semaphore_mem>>)
      %dma_wait3A = tpu.memref_slice %arg2[%min3A_26] : memref<98304xf32, #tpu.memory_space<hbm>> -> memref<12288xf32, #tpu.memory_space<hbm>>
      %dma_wait3A_39 = tpu.memref_slice %arg2[%min3A_26] : memref<98304xf32, #tpu.memory_space<hbm>> -> memref<12288xf32, #tpu.memory_space<hbm>>
      tpu.wait_dma2 semaphore(%run_scoped3A : memref<!tpu.dma_semaphore, #tpu.memory_space<semaphore_mem>>) src(%dma_wait3A_39 : memref<12288xf32, #tpu.memory_space<hbm>>) dst(%arg5 : memref<12288xf32, #tpu.memory_space<vmem>>)
      tpu.yield
    }) : () -> ()
    "tpu.region"() ({
      %run_scoped3A = tpu.sem_alloc : memref<!tpu.dma_semaphore, #tpu.memory_space<semaphore_mem>>
      %dma_start3A = tpu.memref_slice %arg3[%add3A_6] : memref<58960xi32, #tpu.memory_space<hbm>> -> memref<1856xi32, #tpu.memory_space<hbm>>
      %dma_start3A_38 = tpu.memref_slice %arg3[%add3A_6] : memref<58960xi32, #tpu.memory_space<hbm>> -> memref<1856xi32, #tpu.memory_space<hbm>>
      tpu.enqueue_dma source(%dma_start3A_38 : memref<1856xi32, #tpu.memory_space<hbm>>) target(%arg6 : memref<1856xi32, #tpu.memory_space<vmem>>) target_semaphore(%run_scoped3A : memref<!tpu.dma_semaphore, #tpu.memory_space<semaphore_mem>>)
      %dma_wait3A = tpu.memref_slice %arg3[%add3A_6] : memref<58960xi32, #tpu.memory_space<hbm>> -> memref<1856xi32, #tpu.memory_space<hbm>>
      %dma_wait3A_39 = tpu.memref_slice %arg3[%add3A_6] : memref<58960xi32, #tpu.memory_space<hbm>> -> memref<1856xi32, #tpu.memory_space<hbm>>
      tpu.wait_dma2 semaphore(%run_scoped3A : memref<!tpu.dma_semaphore, #tpu.memory_space<semaphore_mem>>) src(%dma_wait3A_39 : memref<1856xi32, #tpu.memory_space<hbm>>) dst(%arg6 : memref<1856xi32, #tpu.memory_space<vmem>>)
      tpu.yield
    }) : () -> ()
    %scan3A = arith.constant 0 : i32
    %scan3A_27 = arith.constant 0 : i32
    %scan3A_28 = arith.constant 116 : i32
    %scan3A_29 = arith.addi %scan3A_27, %scan3A_28 : i32
    %scan3A_30 = arith.constant 1 : i32
    scf.for %scan3A_38 = %scan3A_27 to %scan3A_29 step %scan3A_30  : i32 {
      %mul3A_39 = arith.constant 16 : i32
      %mul3A_40 = arith.muli %scan3A_38, %mul3A_39 : i32
      %get3A = arith.index_cast %mul3A_40 : i32 to index
      %get3A_41 = tpu.vector_load %arg6[%get3A] {strides = array<i32>} : memref<1856xi32, #tpu.memory_space<vmem>>, vector<16xi32>,
      %sub3A_42 = vector.broadcast %min3A_26 : i32 to vector<16xi32>
      %sub3A_43 = arith.subi %get3A_41, %sub3A_42 : vector<16xi32>
      %gather3A = tpu.vector_load_idx %arg5[%sub3A_43] : memref<12288xf32, #tpu.memory_space<vmem>>[vector<16xi32>], vector<16xf32>,
      %swap3A = arith.index_cast %mul3A_40 : i32 to index
      %swap3A_44 = tpu.vector_load %arg7[%swap3A] {strides = array<i32>} : memref<1856xf32, #tpu.memory_space<vmem>>, vector<16xf32>,
      tpu.vector_store %arg7[%swap3A], %gather3A {strides = array<i32>} : memref<1856xf32, #tpu.memory_space<vmem>>, vector<16xf32>,
    }
    %scan3A_31 = arith.constant 116 : i32
    %lt3A = arith.constant 4 : i32
    %lt3A_32 = arith.cmpi slt, %add3A, %lt3A : i32
    %convert_element_type3A = arith.extui %lt3A_32 : i1 to i32
    %cond3A = arith.constant 0 : i32
    %cond3A_33 = arith.cmpi ne, %convert_element_type3A, %cond3A : i32
    scf.if %cond3A_33 {
      "tpu.region"() ({
        %run_scoped3A = tpu.sem_alloc : memref<!tpu.dma_semaphore, #tpu.memory_space<semaphore_mem>>
        %dma_start3A = tpu.memref_slice %arg4[%add3A_6] : memref<58944xf32, #tpu.memory_space<hbm>> -> memref<1856xf32, #tpu.memory_space<hbm>>
        %dma_start3A_38 = tpu.memref_slice %arg4[%add3A_6] : memref<58944xf32, #tpu.memory_space<hbm>> -> memref<1856xf32, #tpu.memory_space<hbm>>
        tpu.enqueue_dma source(%arg7 : memref<1856xf32, #tpu.memory_space<vmem>>) target(%dma_start3A_38 : memref<1856xf32, #tpu.memory_space<hbm>>) target_semaphore(%run_scoped3A : memref<!tpu.dma_semaphore, #tpu.memory_space<semaphore_mem>>)
        %dma_wait3A = tpu.memref_slice %arg4[%add3A_6] : memref<58944xf32, #tpu.memory_space<hbm>> -> memref<1856xf32, #tpu.memory_space<hbm>>
        %dma_wait3A_39 = tpu.memref_slice %arg4[%add3A_6] : memref<58944xf32, #tpu.memory_space<hbm>> -> memref<1856xf32, #tpu.memory_space<hbm>>
        tpu.wait_dma2 semaphore(%run_scoped3A : memref<!tpu.dma_semaphore, #tpu.memory_space<semaphore_mem>>) src(%arg7 : memref<1856xf32, #tpu.memory_space<vmem>>) dst(%dma_wait3A_39 : memref<1856xf32, #tpu.memory_space<hbm>>)
        tpu.yield
      }) : () -> ()
    } else {
    }
    %ge3A = arith.constant 4 : i32
    %ge3A_34 = arith.cmpi sge, %add3A, %ge3A : i32
    %convert_element_type3A_35 = arith.extui %ge3A_34 : i1 to i32
    %cond3A_36 = arith.constant 0 : i32
    %cond3A_37 = arith.cmpi ne, %convert_element_type3A_35, %cond3A_36 : i32
    scf.if %cond3A_37 {
      "tpu.region"() ({
        %run_scoped3A = tpu.sem_alloc : memref<!tpu.dma_semaphore, #tpu.memory_space<semaphore_mem>>
        %dma_start3A = arith.constant 0 : i32
        %dma_start3A_38 = tpu.memref_slice %arg7[%dma_start3A] : memref<1856xf32, #tpu.memory_space<vmem>> -> memref<1840xf32, #tpu.memory_space<vmem>>
        %dma_start3A_39 = tpu.memref_slice %arg4[%add3A_6] : memref<58944xf32, #tpu.memory_space<hbm>> -> memref<1840xf32, #tpu.memory_space<hbm>>
        %dma_start3A_40 = tpu.memref_slice %arg4[%add3A_6] : memref<58944xf32, #tpu.memory_space<hbm>> -> memref<1840xf32, #tpu.memory_space<hbm>>
        %dma_start3A_41 = arith.constant 0 : i32
        %dma_start3A_42 = tpu.memref_slice %arg7[%dma_start3A_41] : memref<1856xf32, #tpu.memory_space<vmem>> -> memref<1840xf32, #tpu.memory_space<vmem>>
        tpu.enqueue_dma source(%dma_start3A_42 : memref<1840xf32, #tpu.memory_space<vmem>>) target(%dma_start3A_40 : memref<1840xf32, #tpu.memory_space<hbm>>) target_semaphore(%run_scoped3A : memref<!tpu.dma_semaphore, #tpu.memory_space<semaphore_mem>>)
        %dma_wait3A = arith.constant 0 : i32
        %dma_wait3A_43 = tpu.memref_slice %arg7[%dma_wait3A] : memref<1856xf32, #tpu.memory_space<vmem>> -> memref<1840xf32, #tpu.memory_space<vmem>>
        %dma_wait3A_44 = tpu.memref_slice %arg4[%add3A_6] : memref<58944xf32, #tpu.memory_space<hbm>> -> memref<1840xf32, #tpu.memory_space<hbm>>
        %dma_wait3A_45 = tpu.memref_slice %arg4[%add3A_6] : memref<58944xf32, #tpu.memory_space<hbm>> -> memref<1840xf32, #tpu.memory_space<hbm>>
        %dma_wait3A_46 = arith.constant 0 : i32
        %dma_wait3A_47 = tpu.memref_slice %arg7[%dma_wait3A_46] : memref<1856xf32, #tpu.memory_space<vmem>> -> memref<1840xf32, #tpu.memory_space<vmem>>
        tpu.wait_dma2 semaphore(%run_scoped3A : memref<!tpu.dma_semaphore, #tpu.memory_space<semaphore_mem>>) src(%dma_wait3A_47 : memref<1840xf32, #tpu.memory_space<vmem>>) dst(%dma_wait3A_45 : memref<1840xf32, #tpu.memory_space<hbm>>)
        tpu.yield
      }) : () -> ()
    } else {
    }
    return
  }
}

module attributes {stable_mosaic.version = 14 : i64} {
  func.func @_tc_mlp_body(%arg0: memref<1x384xf32, #tpu.memory_space<vmem>>, %arg1: memref<384x384xf32, #tpu.memory_space<vmem>>, %arg2: memref<1x384xf32, #tpu.memory_space<vmem>>, %arg3: memref<384x512xf32, #tpu.memory_space<vmem>>, %arg4: memref<1x512xf32, #tpu.memory_space<vmem>>, %arg5: memref<512x3xf32, #tpu.memory_space<vmem>>, %arg6: memref<1x3xf32, #tpu.memory_space<vmem>>, %arg7: memref<1x3xf32, #tpu.memory_space<vmem>>) attributes {dimension_semantics = [], scalar_prefetch = 0 : i64, scratch_operands = 0 : i64, tpu.core_type = #tpu.core_type<tc>} {
    %get3A = arith.constant 0 : index
    %get3A_0 = arith.constant 0 : index
    %get3A_1 = vector.load %arg0[%get3A, %get3A_0] : memref<1x384xf32, #tpu.memory_space<vmem>>, vector<1x384xf32>
    %get3A_2 = arith.constant 0 : index
    %get3A_3 = arith.constant 0 : index
    %get3A_4 = vector.load %arg1[%get3A_2, %get3A_3] : memref<384x384xf32, #tpu.memory_space<vmem>>, vector<384x384xf32>
    %dot_general3A = arith.constant dense<0.000000e+00> : vector<1x384xf32>
    %dot_general3A_5 = tpu.matmul %get3A_1, %get3A_4, %dot_general3A {dimension_numbers = #tpu.dot_dimension_numbers<[1], [0], [0], [1], [0, 0, 1, 1], [], []>, transpose_lhs_hint = false} : vector<1x384xf32>, vector<384x384xf32>, vector<1x384xf32> -> vector<1x384xf32>
    %get3A_6 = arith.constant 0 : index
    %get3A_7 = arith.constant 0 : index
    %get3A_8 = vector.load %arg2[%get3A_6, %get3A_7] : memref<1x384xf32, #tpu.memory_space<vmem>>, vector<1x384xf32>
    %add3A = arith.addf %dot_general3A_5, %get3A_8 : vector<1x384xf32>
    %get3A_9 = arith.constant 0 : index
    %get3A_10 = arith.constant 0 : index
    %get3A_11 = vector.load %arg3[%get3A_9, %get3A_10] : memref<384x512xf32, #tpu.memory_space<vmem>>, vector<384x512xf32>
    %dot_general3A_12 = arith.constant dense<0.000000e+00> : vector<1x512xf32>
    %dot_general3A_13 = tpu.matmul %add3A, %get3A_11, %dot_general3A_12 {dimension_numbers = #tpu.dot_dimension_numbers<[1], [0], [0], [1], [0, 0, 1, 1], [], []>, transpose_lhs_hint = false} : vector<1x384xf32>, vector<384x512xf32>, vector<1x512xf32> -> vector<1x512xf32>
    %get3A_14 = arith.constant 0 : index
    %get3A_15 = arith.constant 0 : index
    %get3A_16 = vector.load %arg4[%get3A_14, %get3A_15] : memref<1x512xf32, #tpu.memory_space<vmem>>, vector<1x512xf32>
    %add3A_17 = arith.addf %dot_general3A_13, %get3A_16 : vector<1x512xf32>
    %max3A = arith.constant 0.000000e+00 : f32
    %max3A_18 = vector.broadcast %max3A : f32 to vector<1x512xf32>
    %max3A_19 = arith.maximumf %add3A_17, %max3A_18 : vector<1x512xf32>
    %get3A_20 = arith.constant 0 : index
    %get3A_21 = arith.constant 0 : index
    %get3A_22 = vector.load %arg5[%get3A_20, %get3A_21] : memref<512x3xf32, #tpu.memory_space<vmem>>, vector<512x3xf32>
    %dot_general3A_23 = arith.constant dense<0.000000e+00> : vector<1x3xf32>
    %dot_general3A_24 = tpu.matmul %max3A_19, %get3A_22, %dot_general3A_23 {dimension_numbers = #tpu.dot_dimension_numbers<[1], [0], [0], [1], [0, 0, 1, 1], [], []>, transpose_lhs_hint = false} : vector<1x512xf32>, vector<512x3xf32>, vector<1x3xf32> -> vector<1x3xf32>
    %get3A_25 = arith.constant 0 : index
    %get3A_26 = arith.constant 0 : index
    %get3A_27 = vector.load %arg6[%get3A_25, %get3A_26] : memref<1x3xf32, #tpu.memory_space<vmem>>, vector<1x3xf32>
    %add3A_28 = arith.addf %dot_general3A_24, %get3A_27 : vector<1x3xf32>
    %swap3A = arith.constant 0 : index
    %swap3A_29 = arith.constant 0 : index
    %swap3A_30 = vector.load %arg7[%swap3A, %swap3A_29] : memref<1x3xf32, #tpu.memory_space<vmem>>, vector<1x3xf32>
    tpu.vector_store %arg7[%swap3A, %swap3A_29], %add3A_28 {strides = array<i32>} : memref<1x3xf32, #tpu.memory_space<vmem>>, vector<1x3xf32>,
    return
  }
}

</mosaic_0001>

<sc_bundles>
// kernel: kernel.4.cloned.1.call-start
scs
__scs_entry_jumppad:
0x0: {  	(pc) =	sbr.rel $0x88, $3  }
0x1: {  	(tag) =	ssettag $0x0;
	lr =	simm.s32 $0x1  }
0x2: {  	[smem:$0x3F99] =	sst lr;
	_ =	strace $0xD0000000  }
0x3: {  	_ = 	snop  }
0x4: {  	_ = 	snop  }
0x5: {  	_ = 	snop  }
0x6: {  	_ = 	snop  }
0x7: {  	_ = 	snop  }
__scs_overlays_trampoline_lowered:
0x8: {  	[smem:$0x3FA8] =	sst s0  }
0x9: {  	[smem:$0x3FA9] =	sst s1  }
0xa: {  	[smem:$0x3FAA] =	sst s2  }
0xb: {  	[smem:$0x3FAB] =	sst s3  }
0xc: {  	[smem:$0x3FAC] =	sst s4  }
0xd: {  	[smem:$0x3FAD] =	sst s5  }
0xe: {  	[smem:$0x3FAE] =	sst s6  }
0xf: {  	[smem:$0x3FAF] =	sst s7  }
0x10: {  	[smem:$0x3FB0] =	sst s8  }
0x11: {  	[smem:$0x3FB1] =	sst s9;
	s0 =	simm.s32 @!p0 $0x0  }
0x12: {  	s1 =	sld [smem:$0x3F97];
	s0 =	simm.s32 @p0 $0x1  }
0x13: {  	[smem:$0x3FB2] =	sst s0;
	s0 =	simm.s32 @!p1 $0x0  }
0x14: {  	s2 =	sld [smem:$0x3F96];
	s0 =	simm.s32 @p1 $0x1  }
0x15: {  	[smem:$0x3FB3] =	sst s0;
	s0 =	simm.s32 @!p2 $0x0  }
0x16: {  	s3 =	sld [smem:$0x3FDB];
	s0 =	simm.s32 @p2 $0x1  }
0x17: {  	s4 =	simm.s32 $0x1BF5;
	[smem:$0x3FB5] =	sst s0  }
0x18: {  	s0 =	sld [smem:$0x3F98];
	_ =	swait.ge [sflag:s4], $0x0  }
0x19: {  	s7 =	sld [smem:$0x3F99]  }
0x1a: {  	s8 =	sadd.s32 $0xFFFFE003, lr  }
0x1b: {  	s9 =	sadd.s32 $0xFFFFFEF7, lr;
	s5 =	simm.s32 $0xFFFFFFFF;
	p2 =	slt.u32 s8, $0xFFFFF086  }
0x1c: {  	p1 =	slt.u32 s9, $0xF7A;
	s5 =	simm.s32 @!p2 $0x0  }
0x1d: {  	s5 =	simm.s32 @p1 $0x1;
	p0 =	seq.s32 s7, s2  }
0x1e: {  	s7 =	smul.u32 @!p0 $0xF7A, s2;
	p2 =	seq.s32 @!p0 s5, $0x0  }
0x1f: {  	s9 =	smul.u32 $0xF7A, s1;
	s8 =	simm.s32 @!p0 $0x1BF5;
	p2 =	por !p2, p0  }
0x20: {  	[sflag:s8] =	ssyncset.s32 @!p0 $0xFFFFF086;
	s6 =	sadd.s32 @!p0 s3, s7;
	s7 =	simm.s32 @!p0 $0x108  }
0x21: {  	s3 =	sadd.s32 s3, s9;
	s6 =	sadd.s32 @!p0 $0x88, s6;
	s7 =	simm.s32 @p2 $0x1082  }
0x22: {  	[simem:s7], [sflag:s8] =	dma.local @!p0 [hbm:s6], $0xF7A  }
0x23: {  	s9 =	sor.u32 $0xD0000000, s2;
	s6 =	simm.s32 $0x108;
	_ =	swait.ge @!p0 [sflag:s8], $0x0  }
0x24: {  	s3 =	sadd.s32 $0x88, s3;
	s6 =	simm.s32 @!p1 $0x1082;
	[sflag:s4] =	ssyncset.s32 $0xFFFFF086  }
0x25: {  	[simem:s6], [sflag:s4] =	dma.local [hbm:s3], $0xF7A  }
0x26: {  	[smem:$0x3F99] =	sst s1;
	(tag) =	ssettag s2;
	_ =	strace s9  }
0x27: {  	s1 =	sld [smem:$0x3FA9]  }
0x28: {  	s2 =	sld [smem:$0x3FAA]  }
0x29: {  	s4 =	sld [smem:$0x3FAC]  }
0x2a: {  	p0 =	seq.s32 s5, $0x0;
	s5 =	sld [smem:$0x3FAD]  }
0x2b: {  	s6 =	sld [smem:$0x3FAE]  }
0x2c: {  	s7 =	sld [smem:$0x3FAF]  }
0x2d: {  	s3 =	simm.s32 $0x108;
	s8 =	sld [smem:$0x3FB0]  }
0x2e: {  	s3 =	simm.s32 @!p0 $0x1082;
	s9 =	sld [smem:$0x3FB1]  }
0x2f: {  	lr =	sadd.s32 s0, s3;
	s0 =	sld [smem:$0x3FA8]  }
0x30: {  	s3 =	sld [smem:$0x3FAB]  }
0x31: {  	[smem:$0x3FB4] =	sst s10  }
0x32: {  	s10 =	sld [smem:$0x3FB2];
	_ =	sdelay $0x3  }
0x33: {  	p0 =	seq.s32 s10, $0x1;
	s10 =	sld [smem:$0x3FB4];
	_ =	sdelay $0x3  }
0x34: {  	[smem:$0x3FB4] =	sst s10  }
0x35: {  	s10 =	sld [smem:$0x3FB3];
	_ =	sdelay $0x3  }
0x36: {  	p1 =	seq.s32 s10, $0x1;
	s10 =	sld [smem:$0x3FB4];
	_ =	sdelay $0x3  }
0x37: {  	[smem:$0x3FB4] =	sst s10  }
0x38: {  	s10 =	sld [smem:$0x3FB5]  }
0x39: {  	_ = 	snop;
	(pc) =	sbr.ind lr, $3  }
0x3a: {  	_ = 	snop  }
0x3b: {  	_ = 	snop  }
0x3c: {  	p2 =	seq.s32 s10, $0x1;
	s10 =	sld [smem:$0x3FB4]  }
0x3d: {  	_ =	shalt  }
0x3e: {  	_ =	shalt  }
0x3f: {  	_ =	shalt  }
0x40: {  	_ =	shalt  }
0x41: {  	_ =	shalt  }
0x42: {  	_ =	shalt  }
0x43: {  	_ =	shalt  }
0x44: {  	_ =	shalt  }
0x45: {  	_ =	shalt  }
0x46: {  	_ =	shalt  }
0x47: {  	_ =	shalt  }
0x48: {  	_ =	shalt  }
0x49: {  	_ =	shalt  }
0x4a: {  	_ =	shalt  }
0x4b: {  	_ =	shalt  }
0x4c: {  	_ =	shalt  }
0x4d: {  	_ =	shalt  }
0x4e: {  	_ =	shalt  }
0x4f: {  	_ =	shalt  }
0x50: {  	_ =	shalt  }
0x51: {  	_ =	shalt  }
0x52: {  	_ =	shalt  }
0x53: {  	_ =	shalt  }
0x54: {  	_ =	shalt  }
0x55: {  	_ =	shalt  }
0x56: {  	_ =	shalt  }
0x57: {  	_ =	shalt  }
0x58: {  	_ =	shalt  }
0x59: {  	_ =	shalt  }
0x5a: {  	_ =	shalt  }
0x5b: {  	_ =	shalt  }
0x5c: {  	_ =	shalt  }
0x5d: {  	_ =	shalt  }
0x5e: {  	_ =	shalt  }
0x5f: {  	_ =	shalt  }
0x60: {  	_ =	shalt  }
0x61: {  	_ =	shalt  }
0x62: {  	_ =	shalt  }
0x63: {  	_ =	shalt  }
0x64: {  	_ =	shalt  }
0x65: {  	_ =	shalt  }
0x66: {  	_ =	shalt  }
0x67: {  	_ =	shalt  }
0x68: {  	_ =	shalt  }
0x69: {  	_ =	shalt  }
0x6a: {  	_ =	shalt  }
0x6b: {  	_ =	shalt  }
0x6c: {  	_ =	shalt  }
0x6d: {  	_ =	shalt  }
0x6e: {  	_ =	shalt  }
0x6f: {  	_ =	shalt  }
0x70: {  	_ =	shalt  }
0x71: {  	_ =	shalt  }
0x72: {  	_ =	shalt  }
0x73: {  	_ =	shalt  }
0x74: {  	_ =	shalt  }
0x75: {  	_ =	shalt  }
0x76: {  	_ =	shalt  }
0x77: {  	_ =	shalt  }
0x78: {  	_ =	shalt  }
0x79: {  	_ =	shalt  }
0x7a: {  	_ =	shalt  }
0x7b: {  	_ =	shalt  }
0x7c: {  	_ =	shalt  }
0x7d: {  	_ =	shalt  }
0x7e: {  	_ =	shalt  }
0x7f: {  	_ =	shalt  }
0x80: {  	_ =	shalt  }
0x81: {  	_ =	shalt  }
0x82: {  	_ =	shalt  }
0x83: {  	_ =	shalt  }
0x84: {  	_ =	shalt  }
0x85: {  	_ =	shalt  }
0x86: {  	_ =	shalt  }
0x87: {  	_ =	shalt  }
.Lfunc_end0:
.L_simem_size_0:
called_computation_lowered:
.L_overlay_start_0:
0x88: {  	s2 =	sld [smem:$0x3FD9]  }
0x89: {  	s3 =	sld [smem:$0x3FFE];
	_ =	sdelay $0x1  }
0x8a: {  	s1 =	srdreg.scid  }
0x8b: {  	s0 =	sand.u32 $0x1, s1  }
0x8c: {  	s14 =	sshll.u32 s0, $0xA;
	s2 =	sadd.s32 s3, s2  }
0x8d: {  	s2 =	sadd.s32 s2, s14  }
0x8e: {  	[smem:$0x3FC0] =	sst s2  }
0x8f: {  	_ = 	snop  }
0x90: {  	s2 =	sld [smem:$0x3FD0];
	_ =	sdelay $0x2  }
0x91: {  	s15 =	simm.s32 $0xA;
	s4 =	simm.s32 $0x10  }
0x92: {  	[smem:s4], [sflag:s15] =	dma.local [hbm:s2], $0x1  }
0x93: {  	_ =	swait.eq [sflag:s15], $0x1  }
0x94: {  	[sflag:s15] =	ssyncset.done $0x0  }
0x95: {  	s16 =	sld [smem:$0x10];
	[sflag:s15] =	ssyncadd.s32 $0xFFFFFFFF  }
0x96: {  	s17 =	sld [smem:$0x11];
	(tm) =	ssettm $0x1  }
0x97: {  	s18 =	sld [smem:$0x3FFB];
	_ =	sdelay $0x3  }
0x98: {  	_ =	strace s18  }
0x99: {  	s4 =	sld [smem:$0x3FFC];
	_ =	sdelay $0x3  }
0x9a: {  	_ =	strace s4  }
0x9b: {  	s4 =	sld [smem:$0x3FFD];
	_ =	sdelay $0x3  }
0x9c: {  	_ =	strace s4  }
0x9d: {  	_ =	strace $0x8FFFFFFF  }
0x9e: {  	s19 =	sld [smem:$0x3FDB];
	_ =	sdelay $0x1  }
0x9f: {  	s5 =	simm.s32 $_scs_section_size  }
0xa0: {  	s6 =	simm.s32 $_size__tile_overlayer_lowered;
	s7 =	simm.s32 $_tile_overlayer_lowered  }
0xa1: {  	s22 =	simm.s32 $0x1BFF;
	s21 =	sshll.u32 s7, $0x1;
	s4 =	sadd.s32 s5, s19  }
0xa2: {  	s8 =	simm.s32 $0x0;
	s20 =	sshll.u32 s6, $0x1;
	s6 =	sadd.s32 s21, s4  }
0xa3: {  	[timem:s8], [sflag:s22] =	dma.local [hbm:s6], s20  }
0xa4: {  	_ =	swait.ge [sflag:s22], s20  }
0xa5: {  	s5 =	ssub.s32 $0x0, s20;
	[sflag:s22] =	ssyncset.done $0x0  }
0xa6: {  	[sflag:s22] =	ssyncadd.s32 s5;
	_ =	sdelay $0x1  }
0xa7: {  	s23 =	simm.s32 $0x1B8B  }
0xa8: {  	_ =	swait.ge [sflag:s23], $0x1  }
0xa9: {  	[sflag:s23] =	ssyncset.done $0x0  }
0xaa: {  	s25 =	simm.s32 $0x1B8E;
	s24 =	sld [smem:$0x3FFE];
	[sflag:s23] =	ssyncadd.s32 $0xFFFFFFFF  }
0xab: {  	s26 =	simm.s32 $execute0_lowered;
	[smem:$0x3FD2] =	sst s25  }
0xac: {  	s6 =	sshll.u32 s26, $0x1;
	_ =	strace $0x80000046;
	[dreg:$0x1] =	wrdreg $0xFFFFFFFF  }
0xad: {  	s28 =	simm.s32 $_size_execute0_lowered;
	s4 =	sadd.s32 s4, s6;
	[dreg:$0x0] =	wrdreg $0x0  }
0xae: {  	s6 =	sshll.u32 s28, $0x1;
	[dreg:$0x2] =	wrdreg s4  }
0xaf: {  	[dreg:$0x3] =	wrdreg s6  }
0xb0: {  	[dreg:$0x4] =	wrdreg $0xC0  }
0xb1: {  	_ =	task [dreg:s8], $0x5FFFF  }
0xb2: {  	[dreg:$0x1] =	wrdreg $0xFFFFFFFF  }
0xb3: {  	[dreg:$0x0] =	wrdreg $0x60  }
0xb4: {  	[dreg:$0x2] =	wrdreg s24  }
0xb5: {  	[dreg:$0x3] =	wrdreg s17  }
0xb6: {  	[dreg:$0x4] =	wrdreg s16  }
0xb7: {  	[dreg:$0x5] =	wrdreg $0x9  }
0xb8: {  	_ =	task.clear_ibuf [dreg:s8], $0x6FFFF;
	_ =	strace $0x90000046  }
0xb9: {  	s29 =	simm.s32 $0x9;
	_ =	strace $0x80000048  }
0xba: {  	_ =	swait.ge [sflag:s29], $0x1  }
0xbb: {  	[sflag:s29] =	ssyncadd.s32 $0xFFFFFFFF  }
0xbc: {  	_ =	strace $0x90000048  }
0xbd: {  	_ =	sfence  }
0xbe: {  	s30 =	sld [smem:$0x0];
	_ =	sdelay $0x2  }
0xbf: {  	s31 =	sshll.u32 s1, $0xD;
	s1 =	sshrl.u32 s1, $0x2  }
0xc0: {  	s3 =	sand.u32 $0x4000, s31;
	s1 =	sadd.s32 s1, s30  }
0xc1: {  	s0 =	sor.u32 s3, s0;
	s1 =	sshll.u32 s1, $0x11  }
0xc2: {  	s0 =	sor.u32 s1, s0  }
0xc3: {  	s0 =	sadd.s32 $0x8F2B, s0  }
0xc4: {  	[sflag:s0] =	ssyncadd.remote.s32 $0x1  }
0xc5: {  	_ =	sfence.sel $0xFFFF  }
0xc6: {  	[dreg:$0x0] =	wrdreg $0xFFFFFFFF;
	(pc) =	sbr.abs _section_cstart, $3  }
0xc7: {  	[dreg:$0x1] =	wrdreg $0xFFFFFFFF  }
0xc8: {  	_ =	task.clear_ibuf [dreg:s8], $0x2FFFF;
	_ =	strace $0x9FFFFFFF  }
0xc9: {  	(tm) =	ssettm $0x7FFFFFFF  }
tec
execute0_lowered:
.L_overlay_start_1:
0x0: {  	(tag) =	ssettag $0x1  }
0x1: {  	s1 =	srdreg.scid;
	s0 =	stileid.u32  }
0x2: {  	s3 =	sand.u32 $0x1, s1;
	s30 =	sshll.u32 s0, $0x1  }
0x3: {  	s1 =	sor.u32 s3, s30  }
0x4: {  	s2 =	smul.u32 $0x730, s1;
	s1 =	smin.u32 s1, $0x4  }
0x5: {  	s1 =	sshll.u32 s1, $0x4  }
0x6: {  	s4 =	sadd.s32 s2, s1  }
0x7: {  	s1 =	sand.u32 $0xFFF0, s4  }
0x8: {  	s1 =	smul.u32 $0x8E51, s1  }
0x9: {  	s5 =	rddreg [dreg:$0x0]  }
0xa: {  	s6 =	rddreg [dreg:$0x1];
	s1 =	sshrl.u32 s1, $0x1B  }
0xb: {  	s7 =	rddreg [dreg:$0x2];
	s3 =	ssub.s32 $0x2, s3;
	s8 =	smul.u32 $0x1800, s1  }
0xc: {  	p0 =	sgt.u32 s0, $0x1;
	s31 =	sshrl.u32 s3, $0x1;
	s2 =	simm.s32 $0x0  }
0xd: {  	[smem:$0x7FF] =	sst s2;
	s10 =	sshrl.u32 s4, $0x3;
	s8 =	smin.u32 s8, $0x15000  }
0xe: {  	s4 =	sadd.s32 s6, s10;
	s1 =	rddreg [dreg:$0x3];
	s9 =	sshrl.u32 s8, $0x3  }
0xf: {  	_ =	strace $0x80000047;
	v0 =	vmov s8;
	s8 =	simm.s32 $0x3000;
	s5 =	sadd.s32 s9, s5  }
0x10: {  	s9 =	ssub.s32 s3, s31;
	s3 =	sadd.s32 $0x1400, s5;
	s5 =	sadd.s32 s7, s10  }
0x11: {  	s6 =	smax.u32 s9, $0x1;
	s7 =	simm.s32 $0x1;
	s9 =	simm.s32 $0x0  }
.LBB2_1:
0x12: {  	[tilespmem:s2], [sflag:$0x1] =	stream.linear.gather [hbm4b:s3+s2], $0x3000, $0x38;
	[tilespmem:$0x3F00] =	vst v63  }
0x13: {  	_ =	swait.ge [sflag:s7], $0x3000  }
0x14: {  	[sflag:s7] =	ssyncset.done $0x0  }
0x15: {  	[sflag:s7] =	ssyncadd.s32 $0xFFFFD000  }
0x16: {  	[tilespmem:s8], [sflag:$0x1] =	stream.linear.gather [hbm4b:s4+s2], $0x740, $0x38;
	[tilespmem:$0x3F00] =	vst v63  }
0x17: {  	_ =	swait.ge [sflag:s7], $0x740  }
0x18: {  	[sflag:s7] =	ssyncset.done $0x0  }
0x19: {  	s11 =	simm.s32 $0x0;
	[sflag:s7] =	ssyncadd.s32 $0xFFFFF8C0  }
0x1a: {  	v1 =	vld [tilespmem:s11+$0x3000];
	_ =	sdelay $0x4  }
0x1b: {  	s10 =	simm.s32 $0x10;
	v2 =	vsub.s32 v1, v0  }
0x1c: {  	v3 =	vld [tilespmem:s10+$0x3000];
	v1 =	vand.u32 $0x7F, v1;
	v2 =	vand.u32 $0xFFFFFF80, v2  }
0x1d: {  	v1 =	vor.u32 v1, v2;
	_ =	sdelay $0x3  }
0x1e: {  	v2 =	vsub.s32 v3, v0  }
0x1f: {  	s12 =	simm.s32 $0x20;
	s13 =	simm.s32 $0xC0;
	v3 =	vand.u32 $0x7F, v3;
	v2 =	vand.u32 $0xFFFFFF80, v2;
	v1 =	vld.idx.msk [tilespmem:v1+s2+$0x0], $0xffff  }
.LBB2_2:
0x20: {  	p1 =	sne.s32 s13, $0x1CC0;
	v4 =	vld [tilespmem:s12+$0x3000];
	v2 =	vor.u32 v3, v2;
	_ =	sdelay $0x1  }
.Ltmp0:
0x21: {  	(pc) =	sbr.rel @p1 .LBB2_2-.Ltmp0, $4  }
0x22: {  	_ = 	snop  }
0x23: {  	[tilespmem:s11+$0x3780] =	vst v1;
	s11 =	smov.u32 s10;
	s10 =	smov.u32 s12  }
0x24: {  	v3 =	vsub.s32 v4, v0;
	v1 =	vld.idx.msk [tilespmem:v2+s2+$0x0], $0xffff  }
0x25: {  	s12 =	sshra.s32 s13, $0x2;
	s13 =	sadd.s32 $0x40, s13;
	v2 =	vand.u32 $0xFFFFFF80, v3;
	v3 =	vand.u32 $0x7F, v4  }
0x26: {  	v4 =	vld [tilespmem:s12+$0x3000]  }
0x27: {  	v2 =	vor.u32 v3, v2;
	_ =	sdelay $0x3  }
0x28: {  	[tilespmem:s11+$0x3780] =	vst v1;
	v1 =	vsub.s32 v4, v0  }
0x29: {  	v2 =	vld.idx.msk [tilespmem:v2+s2+$0x0], $0xffff;
	v3 =	vand.u32 $0x7F, v4;
	v1 =	vand.u32 $0xFFFFFF80, v1  }
0x2a: {  	v1 =	vor.u32 v3, v1;
	_ =	sdelay $0x3  }
0x2b: {  	[tilespmem:s10+$0x3780] =	vst v2  }
0x2c: {  	v1 =	vld.idx.msk [tilespmem:v1+s2+$0x0], $0xffff;
	_ =	sdelay $0x4  }
0x2d: {  	s11 =	simm.s32 @p0 $0x3780;
	s10 =	simm.s32 @p0 $0x0;
	[tilespmem:s12+$0x3780] =	vst v1  }
0x2e: {  	[hbm4b:s5+s10] =	stream.linear.scatter @p0 [tilespmem:s11], [sflag:$0x1], $0x730, $0x38;
	[tilespmem:$0x3F00] =	vst v63  }
0x2f: {  	s10 =	simm.s32 @p0 $0x1  }
0x30: {  	s9 =	sadd.s32 $0x1, s9;
	_ =	swait.ge @p0 [sflag:s10], $0x730  }
0x31: {  	p1 =	sne.s32 s9, s6;
	[sflag:s10] =	ssyncset.done @p0 $0x0  }
0x32: {  	s11 =	simm.s32 @!p0 $0x3780;
	[sflag:s10] =	ssyncadd.s32 @p0 $0xFFFFF8D0;
	s10 =	simm.s32 @!p0 $0x0  }
0x33: {  	[hbm4b:s5+s10] =	stream.linear.scatter @!p0 [tilespmem:s11], [sflag:$0x1], $0x740, $0x38;
	[tilespmem:$0x3F00] =	vst v63  }
.Ltmp1:
0x34: {  	_ = 	snop;
	(pc) =	sbr.rel @p1 .LBB2_1-.Ltmp1, $4  }
0x35: {  	s10 =	simm.s32 @!p0 $0x1  }
0x36: {  	_ =	swait.ge @!p0 [sflag:s10], $0x740  }
0x37: {  	[sflag:s10] =	ssyncset.done @!p0 $0x0  }
0x38: {  	[sflag:s10] =	ssyncadd.s32 @!p0 $0xFFFFF8C0  }
0x39: {  	_ =	sfence.sel $0x180000  }
0x3a: {  	[bflag:$0x0] =	sbarrier.arrive $0xFFFF  }
0x3b: {  	p0 =	sne.s32 s0, $0x0;
	_ =	strace $0x90000047  }
0x3c: {  	s0 =	sadd.s32 @!p0 $0x100000, s1;
	[bflag:$0x2] =	sbarrier.arrive $0xFFFF  }
0x3d: {  	[sflag:s0] =	ssyncadd.tile.s32 @!p0 $0x1;
	_ =	shalt  }
.Lfunc_end2:
_tile_overlayer_lowered:
.L_overlay_start_2:
0x3e: {  	(tag) =	ssettag $0x2  }
0x3f: {  	s0 =	rddreg [dreg:$0x0];
	s2 =	stileid.u32  }
0x40: {  	s1 =	rddreg [dreg:$0x1];
	p0 =	sne.s32 s2, $0x0  }
0x41: {  	s3 =	rddreg [dreg:$0x2];
	[bflag:$0x3] =	sbarrier.arrive $0xFFFF;
	s2 =	simm.s32 @!p0 $0x1C01  }
0x42: {  	[timem:s3], [sflag:s2] =	dma.local @!p0 [hbm:s0], s1  }
0x43: {  	s0 =	simm.s32 @!p0 $0x1  }
0x44: {  	_ =	swait.ge @!p0 [sflag:s0], s1  }
0x45: {  	s1 =	ssub.s32 @!p0 $0x0, s1;
	[sflag:s0] =	ssyncset.done @!p0 $0x0  }
0x46: {  	[sflag:s0] =	ssyncadd.s32 @!p0 s1  }
0x47: {  	[bflag:$0x3] =	sbarrier.arrive $0xFFFF  }
0x48: {  	_ =	shalt  }

</sc_bundles>
